<compile_context>
chip_gen: v7x
topology: tpu7x:2x2x1
jax: 0.10.2.dev20260603
libtpu: 0.0.44.dev20260713+nightly
codegen_flags: <defaults>
</compile_context>

<pallas_src>
import functools

import jax
import jax.numpy as jnp
from jax import lax
from jax.experimental import pallas as pl
from jax.experimental.pallas import tpu as pltpu
from jax.experimental.pallas import tpu_sc as plsc

_HIDDEN = 4096
_EXPERTS = 64
_TOKENS = 8192
_TM = 512
_NT = _TOKENS // _TM

_NC = 2
_NS = 16
_L = 16
_NW = _NC * _NS
_RPW = _TOKENS // _NW
_NG = _RPW // _L


def _router_tc_kernel(h_ref, w_ref, logits_ref, stat_ref, load_acc, ent_acc):
    i = pl.program_id(0)

    @pl.when(i == 0)
    def _init():
        load_acc[...] = jnp.zeros_like(load_acc)
        ent_acc[0] = 0.0

    h = h_ref[...]
    w = w_ref[...]
    logits = jax.lax.dot_general(
        h, w, (((1,), (1,)), ((), ())),
        preferred_element_type=jnp.float32)
    logits_ref[...] = logits

    m1 = jnp.max(logits, axis=-1, keepdims=True)
    p = jnp.exp(logits - m1)
    denom = jnp.sum(p, axis=-1, keepdims=True)
    probs = p / denom
    load_acc[...] += jnp.sum(probs, axis=0, keepdims=True)
    ent_acc[0] += -jnp.sum(probs * jnp.log(probs + 1e-8))

    @pl.when(i == _NT - 1)
    def _finish():
        load = load_acc[...] / _TOKENS
        mean = jnp.mean(load)
        var = jnp.sum((load - mean) ** 2) / (_EXPERTS - 1)
        stat_ref[0] = var
        stat_ref[1] = ent_acc[0] / _TOKENS


_topk_mesh = plsc.VectorSubcoreMesh(core_axis_name="c", subcore_axis_name="s")


@functools.partial(
    pl.kernel,
    mesh=_topk_mesh,
    out_type=[
        jax.ShapeDtypeStruct((_TOKENS, 2), jnp.int32),
        jax.ShapeDtypeStruct((_TOKENS, 2), jnp.float32),
    ],
    scratch_types=[
        pltpu.VMEM((_RPW, _EXPERTS), jnp.float32),
        pltpu.VMEM((_RPW, 2), jnp.int32),
        pltpu.VMEM((_RPW, 2), jnp.float32),
    ],
    compiler_params=pltpu.CompilerParams(needs_layout_passes=False),
)
def _topk_sc_kernel(logits_hbm, idx_hbm, ew_hbm, lg_v, idx_v, ew_v):
    wid = lax.axis_index("s") * _NC + lax.axis_index("c")
    base = wid * _RPW
    pltpu.sync_copy(logits_hbm.at[pl.ds(base, _RPW)], lg_v)

    zero_i = jnp.zeros((_L,), jnp.int32)
    one_i = jnp.ones((_L,), jnp.int32)
    lane = lax.broadcasted_iota(jnp.int32, (_L,), 0)

    def per_group(g, carry_none):
        rows = g * _L + lane

        def per_col(j, carry):
            m1, i1, m2, i2 = carry
            jv = jnp.full((_L,), j, jnp.int32)
            v = plsc.load_gather(lg_v, [rows, jv])
            gt1 = v > m1
            gt2 = v > m2
            m2n = jnp.where(gt1, m1, jnp.where(gt2, v, m2))
            i2n = jnp.where(gt1, i1, jnp.where(gt2, jv, i2))
            m1n = jnp.where(gt1, v, m1)
            i1n = jnp.where(gt1, jv, i1)
            return (m1n, i1n, m2n, i2n)

        ninf = jnp.full((_L,), -jnp.inf, jnp.float32)
        m1, i1, m2, i2 = lax.fori_loop(
            0, _EXPERTS, per_col, (ninf, zero_i, ninf, zero_i), unroll=8)

        e2 = jnp.exp(m2 - m1)
        d = 1.0 + e2
        w1 = 1.0 / d
        w2 = e2 / d
        plsc.store_scatter(idx_v, [rows, zero_i], i1)
        plsc.store_scatter(idx_v, [rows, one_i], i2)
        plsc.store_scatter(ew_v, [rows, zero_i], w1)
        plsc.store_scatter(ew_v, [rows, one_i], w2)
        return carry_none

    lax.fori_loop(0, _NG, per_group, 0)
    pltpu.sync_copy(idx_v, idx_hbm.at[pl.ds(base, _RPW)])
    pltpu.sync_copy(ew_v, ew_hbm.at[pl.ds(base, _RPW)])


def kernel(hidden_states, router_weight):
    logits, stats = pl.pallas_call(
        _router_tc_kernel,
        grid=(_NT,),
        in_specs=[
            pl.BlockSpec((_TM, _HIDDEN), lambda i: (i, 0)),
            pl.BlockSpec((_EXPERTS, _HIDDEN), lambda i: (0, 0)),
        ],
        out_specs=[
            pl.BlockSpec((_TM, _EXPERTS), lambda i: (i, 0)),
            pl.BlockSpec(memory_space=pltpu.SMEM),
        ],
        out_shape=[
            jax.ShapeDtypeStruct((_TOKENS, _EXPERTS), jnp.float32),
            jax.ShapeDtypeStruct((2,), jnp.float32),
        ],
        scratch_shapes=[
            pltpu.VMEM((1, _EXPERTS), jnp.float32),
            pltpu.SMEM((1,), jnp.float32),
        ],
    )(hidden_states, router_weight)
    idx, ew = _topk_sc_kernel(logits)
    return (logits, idx, ew, stats[0], stats[1])

# --- scband reference (transcript-rebuilt; emitter-appended) ---
"""Pipeline reference for scband-top-krouter-88673894793956 (READ-ONLY COPY).

The authoritative reference and input builder live on the scoring server;
editing this copy changes nothing except your own understanding.
"""

import jax, jax.numpy as jnp
import numpy as np

HIDDEN_SIZE = 4096
NUM_EXPERTS = 64
TOP_K = 2
N_TOKENS = 8192


def setup_inputs(seed: int = 0) -> dict:
    key = jax.random.key(seed)
    k1, k2 = jax.random.split(key)
    hidden_states = jax.random.normal(k1, (N_TOKENS, HIDDEN_SIZE), dtype=jnp.float32)
    # nn.Linear(hidden_size, num_experts, bias=False); weight shape [num_experts, hidden_size], init std=0.02
    router_weight = jax.random.normal(k2, (NUM_EXPERTS, HIDDEN_SIZE), dtype=jnp.float32) * 0.02
    return {"hidden_states": hidden_states, "router_weight": router_weight}


def reference(hidden_states, router_weight):
    # router_logits = hidden_states @ W^T
    router_logits = hidden_states @ router_weight.T
    # training=False path: no jitter noise
    top_k_logits, top_k_indices = jax.lax.top_k(router_logits, TOP_K)
    # normalize_weights=True
    expert_weights = jax.nn.softmax(top_k_logits, axis=-1)
    probs = jax.nn.softmax(router_logits, axis=-1)
    expert_load = probs.mean(axis=0)
    # torch .var() defaults to unbiased (ddof=1)
    load_variance = jnp.var(expert_load, ddof=1)
    entropy = -(probs * jnp.log(probs + 1e-08)).sum(axis=-1).mean()
    return (router_logits, top_k_indices, expert_weights, load_variance, entropy)

if __name__ == "__main__":
    import jax
    _d = setup_inputs()
    print(jax.jit(kernel)(*tuple(_d.values())))

</pallas_src>

<mosaic_0001>
#map = affine_map<(d0, d1) -> (0, 0)>
module attributes {stable_mosaic.version = 14 : i64} {
  func.func @_topk_sc_kernel(%arg0: i32, %arg1: i32, %arg2: memref<8192x64xf32, #tpu.memory_space<hbm>>, %arg3: memref<8192x2xi32, #tpu.memory_space<hbm>>, %arg4: memref<8192x2xf32, #tpu.memory_space<hbm>>, %arg5: memref<256x64xf32, #tpu.memory_space<vmem>>, %arg6: memref<256x2xi32, #tpu.memory_space<vmem>>, %arg7: memref<256x2xf32, #tpu.memory_space<vmem>>) attributes {dimension_semantics = [#tpu.dimension_semantics<core_parallel>, #tpu.dimension_semantics<subcore_parallel>], iteration_bounds = array<i64: 2, 16>, scalar_prefetch = 0 : i64, scratch_operands = 3 : i64, tpu.core_type = #tpu.core_type<sc_vector_subcore>, window_params = [{transform_indices = #map}, {transform_indices = #map}, {transform_indices = #map}]} {
    %mul3A = arith.constant 2 : i32
    %mul3A_0 = arith.muli %arg1, %mul3A : i32
    %add3A = arith.addi %mul3A_0, %arg0 : i32
    %mul3A_1 = arith.constant 256 : i32
    %mul3A_2 = arith.muli %add3A, %mul3A_1 : i32
    "tpu.region"() ({
      %run_scoped3A = tpu.sem_alloc : memref<!tpu.dma_semaphore, #tpu.memory_space<semaphore_mem>>
      %dma_start3A = arith.constant 0 : i32
      %dma_start3A_11 = tpu.memref_slice %arg2[%mul3A_2, %dma_start3A] : memref<8192x64xf32, #tpu.memory_space<hbm>> -> memref<256x64xf32, #tpu.memory_space<hbm>>
      %dma_start3A_12 = arith.constant 0 : i32
      %dma_start3A_13 = tpu.memref_slice %arg2[%mul3A_2, %dma_start3A_12] : memref<8192x64xf32, #tpu.memory_space<hbm>> -> memref<256x64xf32, #tpu.memory_space<hbm>>
      tpu.enqueue_dma source(%dma_start3A_13 : memref<256x64xf32, #tpu.memory_space<hbm>>) target(%arg5 : memref<256x64xf32, #tpu.memory_space<vmem>>) target_semaphore(%run_scoped3A : memref<!tpu.dma_semaphore, #tpu.memory_space<semaphore_mem>>)
      %dma_wait3A = arith.constant 0 : i32
      %dma_wait3A_14 = tpu.memref_slice %arg2[%mul3A_2, %dma_wait3A] : memref<8192x64xf32, #tpu.memory_space<hbm>> -> memref<256x64xf32, #tpu.memory_space<hbm>>
      %dma_wait3A_15 = arith.constant 0 : i32
      %dma_wait3A_16 = tpu.memref_slice %arg2[%mul3A_2, %dma_wait3A_15] : memref<8192x64xf32, #tpu.memory_space<hbm>> -> memref<256x64xf32, #tpu.memory_space<hbm>>
      tpu.wait_dma2 semaphore(%run_scoped3A : memref<!tpu.dma_semaphore, #tpu.memory_space<semaphore_mem>>) src(%dma_wait3A_16 : memref<256x64xf32, #tpu.memory_space<hbm>>) dst(%arg5 : memref<256x64xf32, #tpu.memory_space<vmem>>)
      tpu.yield
    }) : () -> ()
    %broadcast_in_dim3A = arith.constant 0 : i32
    %broadcast_in_dim3A_3 = vector.broadcast %broadcast_in_dim3A : i32 to vector<16xi32>
    %broadcast_in_dim3A_4 = arith.constant 1 : i32
    %broadcast_in_dim3A_5 = vector.broadcast %broadcast_in_dim3A_4 : i32 to vector<16xi32>
    %iota3A = tpu.iota {dimensions = array<i32: 0>} : vector<16xi32>
    %scan3A = arith.constant 0 : i32
    %scan3A_6 = arith.constant 0 : i32
    %scan3A_7 = arith.constant 16 : i32
    %scan3A_8 = arith.addi %scan3A_6, %scan3A_7 : i32
    %scan3A_9 = arith.constant 1 : i32
    scf.for %scan3A_11 = %scan3A_6 to %scan3A_8 step %scan3A_9  : i32 {
      %mul3A_12 = arith.constant 16 : i32
      %mul3A_13 = arith.muli %scan3A_11, %mul3A_12 : i32
      %add3A_14 = vector.broadcast %mul3A_13 : i32 to vector<16xi32>
      %add3A_15 = arith.addi %add3A_14, %iota3A : vector<16xi32>
      %broadcast_in_dim3A_16 = arith.constant 0xFF800000 : f32
      %broadcast_in_dim3A_17 = vector.broadcast %broadcast_in_dim3A_16 : f32 to vector<16xf32>
      %scan3A_18 = arith.constant 0 : i32
      %scan3A_19 = arith.constant 64 : i32
      %scan3A_20 = arith.addi %scan3A_18, %scan3A_19 : i32
      %scan3A_21 = arith.constant 8 : i32
      %scan3A_22:4 = scf.for %scan3A_30 = %scan3A_18 to %scan3A_20 step %scan3A_21 iter_args(%scan3A_31 = %broadcast_in_dim3A_17, %scan3A_32 = %broadcast_in_dim3A_3, %scan3A_33 = %broadcast_in_dim3A_17, %scan3A_34 = %broadcast_in_dim3A_3) -> (vector<16xf32>, vector<16xi32>, vector<16xf32>, vector<16xi32>)  : i32 {
        %broadcast_in_dim3A_35 = vector.broadcast %scan3A_30 : i32 to vector<16xi32>
        %gather3A = tpu.vector_load_idx %arg5[%add3A_15, %broadcast_in_dim3A_35] : memref<256x64xf32, #tpu.memory_space<vmem>>[vector<16xi32>, vector<16xi32>], vector<16xf32>,
        %gt3A = arith.cmpf ogt, %gather3A, %scan3A_31 : vector<16xf32>
        %gt3A_36 = arith.cmpf ogt, %gather3A, %scan3A_33 : vector<16xf32>
        %select_n3A = arith.select %gt3A_36, %gather3A, %scan3A_33 : vector<16xi1>, vector<16xf32>
        %select_n3A_37 = arith.select %gt3A, %scan3A_31, %select_n3A : vector<16xi1>, vector<16xf32>
        %select_n3A_38 = arith.select %gt3A_36, %broadcast_in_dim3A_35, %scan3A_34 : vector<16xi1>, vector<16xi32>
        %select_n3A_39 = arith.select %gt3A, %scan3A_32, %select_n3A_38 : vector<16xi1>, vector<16xi32>
        %select_n3A_40 = arith.select %gt3A, %gather3A, %scan3A_31 : vector<16xi1>, vector<16xf32>
        %select_n3A_41 = arith.select %gt3A, %broadcast_in_dim3A_35, %scan3A_32 : vector<16xi1>, vector<16xi32>
        %scan3A_42 = arith.constant 1 : i32
        %scan3A_43 = arith.addi %scan3A_30, %scan3A_42 : i32
        %broadcast_in_dim3A_44 = vector.broadcast %scan3A_43 : i32 to vector<16xi32>
        %gather3A_45 = tpu.vector_load_idx %arg5[%add3A_15, %broadcast_in_dim3A_44] : memref<256x64xf32, #tpu.memory_space<vmem>>[vector<16xi32>, vector<16xi32>], vector<16xf32>,
        %gt3A_46 = arith.cmpf ogt, %gather3A_45, %select_n3A_40 : vector<16xf32>
        %gt3A_47 = arith.cmpf ogt, %gather3A_45, %select_n3A_37 : vector<16xf32>
        %select_n3A_48 = arith.select %gt3A_47, %gather3A_45, %select_n3A_37 : vector<16xi1>, vector<16xf32>
        %select_n3A_49 = arith.select %gt3A_46, %select_n3A_40, %select_n3A_48 : vector<16xi1>, vector<16xf32>
        %select_n3A_50 = arith.select %gt3A_47, %broadcast_in_dim3A_44, %select_n3A_39 : vector<16xi1>, vector<16xi32>
        %select_n3A_51 = arith.select %gt3A_46, %select_n3A_41, %select_n3A_50 : vector<16xi1>, vector<16xi32>
        %select_n3A_52 = arith.select %gt3A_46, %gather3A_45, %select_n3A_40 : vector<16xi1>, vector<16xf32>
        %select_n3A_53 = arith.select %gt3A_46, %broadcast_in_dim3A_44, %select_n3A_41 : vector<16xi1>, vector<16xi32>
        %scan3A_54 = arith.constant 2 : i32
        %scan3A_55 = arith.addi %scan3A_30, %scan3A_54 : i32
        %broadcast_in_dim3A_56 = vector.broadcast %scan3A_55 : i32 to vector<16xi32>
        %gather3A_57 = tpu.vector_load_idx %arg5[%add3A_15, %broadcast_in_dim3A_56] : memref<256x64xf32, #tpu.memory_space<vmem>>[vector<16xi32>, vector<16xi32>], vector<16xf32>,
        %gt3A_58 = arith.cmpf ogt, %gather3A_57, %select_n3A_52 : vector<16xf32>
        %gt3A_59 = arith.cmpf ogt, %gather3A_57, %select_n3A_49 : vector<16xf32>
        %select_n3A_60 = arith.select %gt3A_59, %gather3A_57, %select_n3A_49 : vector<16xi1>, vector<16xf32>
        %select_n3A_61 = arith.select %gt3A_58, %select_n3A_52, %select_n3A_60 : vector<16xi1>, vector<16xf32>
        %select_n3A_62 = arith.select %gt3A_59, %broadcast_in_dim3A_56, %select_n3A_51 : vector<16xi1>, vector<16xi32>
        %select_n3A_63 = arith.select %gt3A_58, %select_n3A_53, %select_n3A_62 : vector<16xi1>, vector<16xi32>
        %select_n3A_64 = arith.select %gt3A_58, %gather3A_57, %select_n3A_52 : vector<16xi1>, vector<16xf32>
        %select_n3A_65 = arith.select %gt3A_58, %broadcast_in_dim3A_56, %select_n3A_53 : vector<16xi1>, vector<16xi32>
        %scan3A_66 = arith.constant 3 : i32
        %scan3A_67 = arith.addi %scan3A_30, %scan3A_66 : i32
        %broadcast_in_dim3A_68 = vector.broadcast %scan3A_67 : i32 to vector<16xi32>
        %gather3A_69 = tpu.vector_load_idx %arg5[%add3A_15, %broadcast_in_dim3A_68] : memref<256x64xf32, #tpu.memory_space<vmem>>[vector<16xi32>, vector<16xi32>], vector<16xf32>,
        %gt3A_70 = arith.cmpf ogt, %gather3A_69, %select_n3A_64 : vector<16xf32>
        %gt3A_71 = arith.cmpf ogt, %gather3A_69, %select_n3A_61 : vector<16xf32>
        %select_n3A_72 = arith.select %gt3A_71, %gather3A_69, %select_n3A_61 : vector<16xi1>, vector<16xf32>
        %select_n3A_73 = arith.select %gt3A_70, %select_n3A_64, %select_n3A_72 : vector<16xi1>, vector<16xf32>
        %select_n3A_74 = arith.select %gt3A_71, %broadcast_in_dim3A_68, %select_n3A_63 : vector<16xi1>, vector<16xi32>
        %select_n3A_75 = arith.select %gt3A_70, %select_n3A_65, %select_n3A_74 : vector<16xi1>, vector<16xi32>
        %select_n3A_76 = arith.select %gt3A_70, %gather3A_69, %select_n3A_64 : vector<16xi1>, vector<16xf32>
        %select_n3A_77 = arith.select %gt3A_70, %broadcast_in_dim3A_68, %select_n3A_65 : vector<16xi1>, vector<16xi32>
        %scan3A_78 = arith.constant 4 : i32
        %scan3A_79 = arith.addi %scan3A_30, %scan3A_78 : i32
        %broadcast_in_dim3A_80 = vector.broadcast %scan3A_79 : i32 to vector<16xi32>
        %gather3A_81 = tpu.vector_load_idx %arg5[%add3A_15, %broadcast_in_dim3A_80] : memref<256x64xf32, #tpu.memory_space<vmem>>[vector<16xi32>, vector<16xi32>], vector<16xf32>,
        %gt3A_82 = arith.cmpf ogt, %gather3A_81, %select_n3A_76 : vector<16xf32>
        %gt3A_83 = arith.cmpf ogt, %gather3A_81, %select_n3A_73 : vector<16xf32>
        %select_n3A_84 = arith.select %gt3A_83, %gather3A_81, %select_n3A_73 : vector<16xi1>, vector<16xf32>
        %select_n3A_85 = arith.select %gt3A_82, %select_n3A_76, %select_n3A_84 : vector<16xi1>, vector<16xf32>
        %select_n3A_86 = arith.select %gt3A_83, %broadcast_in_dim3A_80, %select_n3A_75 : vector<16xi1>, vector<16xi32>
        %select_n3A_87 = arith.select %gt3A_82, %select_n3A_77, %select_n3A_86 : vector<16xi1>, vector<16xi32>
        %select_n3A_88 = arith.select %gt3A_82, %gather3A_81, %select_n3A_76 : vector<16xi1>, vector<16xf32>
        %select_n3A_89 = arith.select %gt3A_82, %broadcast_in_dim3A_80, %select_n3A_77 : vector<16xi1>, vector<16xi32>
        %scan3A_90 = arith.constant 5 : i32
        %scan3A_91 = arith.addi %scan3A_30, %scan3A_90 : i32
        %broadcast_in_dim3A_92 = vector.broadcast %scan3A_91 : i32 to vector<16xi32>
        %gather3A_93 = tpu.vector_load_idx %arg5[%add3A_15, %broadcast_in_dim3A_92] : memref<256x64xf32, #tpu.memory_space<vmem>>[vector<16xi32>, vector<16xi32>], vector<16xf32>,
        %gt3A_94 = arith.cmpf ogt, %gather3A_93, %select_n3A_88 : vector<16xf32>
        %gt3A_95 = arith.cmpf ogt, %gather3A_93, %select_n3A_85 : vector<16xf32>
        %select_n3A_96 = arith.select %gt3A_95, %gather3A_93, %select_n3A_85 : vector<16xi1>, vector<16xf32>
        %select_n3A_97 = arith.select %gt3A_94, %select_n3A_88, %select_n3A_96 : vector<16xi1>, vector<16xf32>
        %select_n3A_98 = arith.select %gt3A_95, %broadcast_in_dim3A_92, %select_n3A_87 : vector<16xi1>, vector<16xi32>
        %select_n3A_99 = arith.select %gt3A_94, %select_n3A_89, %select_n3A_98 : vector<16xi1>, vector<16xi32>
        %select_n3A_100 = arith.select %gt3A_94, %gather3A_93, %select_n3A_88 : vector<16xi1>, vector<16xf32>
        %select_n3A_101 = arith.select %gt3A_94, %broadcast_in_dim3A_92, %select_n3A_89 : vector<16xi1>, vector<16xi32>
        %scan3A_102 = arith.constant 6 : i32
        %scan3A_103 = arith.addi %scan3A_30, %scan3A_102 : i32
        %broadcast_in_dim3A_104 = vector.broadcast %scan3A_103 : i32 to vector<16xi32>
        %gather3A_105 = tpu.vector_load_idx %arg5[%add3A_15, %broadcast_in_dim3A_104] : memref<256x64xf32, #tpu.memory_space<vmem>>[vector<16xi32>, vector<16xi32>], vector<16xf32>,
        %gt3A_106 = arith.cmpf ogt, %gather3A_105, %select_n3A_100 : vector<16xf32>
        %gt3A_107 = arith.cmpf ogt, %gather3A_105, %select_n3A_97 : vector<16xf32>
        %select_n3A_108 = arith.select %gt3A_107, %gather3A_105, %select_n3A_97 : vector<16xi1>, vector<16xf32>
        %select_n3A_109 = arith.select %gt3A_106, %select_n3A_100, %select_n3A_108 : vector<16xi1>, vector<16xf32>
        %select_n3A_110 = arith.select %gt3A_107, %broadcast_in_dim3A_104, %select_n3A_99 : vector<16xi1>, vector<16xi32>
        %select_n3A_111 = arith.select %gt3A_106, %select_n3A_101, %select_n3A_110 : vector<16xi1>, vector<16xi32>
        %select_n3A_112 = arith.select %gt3A_106, %gather3A_105, %select_n3A_100 : vector<16xi1>, vector<16xf32>
        %select_n3A_113 = arith.select %gt3A_106, %broadcast_in_dim3A_104, %select_n3A_101 : vector<16xi1>, vector<16xi32>
        %scan3A_114 = arith.constant 7 : i32
        %scan3A_115 = arith.addi %scan3A_30, %scan3A_114 : i32
        %broadcast_in_dim3A_116 = vector.broadcast %scan3A_115 : i32 to vector<16xi32>
        %gather3A_117 = tpu.vector_load_idx %arg5[%add3A_15, %broadcast_in_dim3A_116] : memref<256x64xf32, #tpu.memory_space<vmem>>[vector<16xi32>, vector<16xi32>], vector<16xf32>,
        %gt3A_118 = arith.cmpf ogt, %gather3A_117, %select_n3A_112 : vector<16xf32>
        %gt3A_119 = arith.cmpf ogt, %gather3A_117, %select_n3A_109 : vector<16xf32>
        %select_n3A_120 = arith.select %gt3A_119, %gather3A_117, %select_n3A_109 : vector<16xi1>, vector<16xf32>
        %select_n3A_121 = arith.select %gt3A_118, %select_n3A_112, %select_n3A_120 : vector<16xi1>, vector<16xf32>
        %select_n3A_122 = arith.select %gt3A_119, %broadcast_in_dim3A_116, %select_n3A_111 : vector<16xi1>, vector<16xi32>
        %select_n3A_123 = arith.select %gt3A_118, %select_n3A_113, %select_n3A_122 : vector<16xi1>, vector<16xi32>
        %select_n3A_124 = arith.select %gt3A_118, %gather3A_117, %select_n3A_112 : vector<16xi1>, vector<16xf32>
        %select_n3A_125 = arith.select %gt3A_118, %broadcast_in_dim3A_116, %select_n3A_113 : vector<16xi1>, vector<16xi32>
        scf.yield %select_n3A_124, %select_n3A_125, %select_n3A_121, %select_n3A_123 : vector<16xf32>, vector<16xi32>, vector<16xf32>, vector<16xi32>
      }
      %scan3A_23 = arith.constant 64 : i32
      %sub3A = arith.subf %scan3A_22#2, %scan3A_22#0 : vector<16xf32>
      %exp3A = math.exp %sub3A : vector<16xf32>
      %add3A_24 = arith.constant 1.000000e+00 : f32
      %add3A_25 = vector.broadcast %add3A_24 : f32 to vector<16xf32>
      %add3A_26 = arith.addf %add3A_25, %exp3A : vector<16xf32>
      %div3A = arith.constant 1.000000e+00 : f32
      %div3A_27 = vector.broadcast %div3A : f32 to vector<16xf32>
      %div3A_28 = arith.divf %div3A_27, %add3A_26 : vector<16xf32>
      %div3A_29 = arith.divf %exp3A, %add3A_26 : vector<16xf32>
      tpu.vector_store_idx %arg6[%add3A_15, %broadcast_in_dim3A_3], %scan3A_22#1 : memref<256x2xi32, #tpu.memory_space<vmem>>[vector<16xi32>, vector<16xi32>], vector<16xi32>,
      tpu.vector_store_idx %arg6[%add3A_15, %broadcast_in_dim3A_5], %scan3A_22#3 : memref<256x2xi32, #tpu.memory_space<vmem>>[vector<16xi32>, vector<16xi32>], vector<16xi32>,
      tpu.vector_store_idx %arg7[%add3A_15, %broadcast_in_dim3A_3], %div3A_28 : memref<256x2xf32, #tpu.memory_space<vmem>>[vector<16xi32>, vector<16xi32>], vector<16xf32>,
      tpu.vector_store_idx %arg7[%add3A_15, %broadcast_in_dim3A_5], %div3A_29 : memref<256x2xf32, #tpu.memory_space<vmem>>[vector<16xi32>, vector<16xi32>], vector<16xf32>,
    }
    %scan3A_10 = arith.constant 16 : i32
    "tpu.region"() ({
      %run_scoped3A = tpu.sem_alloc : memref<!tpu.dma_semaphore, #tpu.memory_space<semaphore_mem>>
      %dma_start3A = arith.constant 0 : i32
      %dma_start3A_11 = tpu.memref_slice %arg3[%mul3A_2, %dma_start3A] : memref<8192x2xi32, #tpu.memory_space<hbm>> -> memref<256x2xi32, #tpu.memory_space<hbm>>
      %dma_start3A_12 = arith.constant 0 : i32
      %dma_start3A_13 = tpu.memref_slice %arg3[%mul3A_2, %dma_start3A_12] : memref<8192x2xi32, #tpu.memory_space<hbm>> -> memref<256x2xi32, #tpu.memory_space<hbm>>
      tpu.enqueue_dma source(%arg6 : memref<256x2xi32, #tpu.memory_space<vmem>>) target(%dma_start3A_13 : memref<256x2xi32, #tpu.memory_space<hbm>>) target_semaphore(%run_scoped3A : memref<!tpu.dma_semaphore, #tpu.memory_space<semaphore_mem>>)
      %dma_wait3A = arith.constant 0 : i32
      %dma_wait3A_14 = tpu.memref_slice %arg3[%mul3A_2, %dma_wait3A] : memref<8192x2xi32, #tpu.memory_space<hbm>> -> memref<256x2xi32, #tpu.memory_space<hbm>>
      %dma_wait3A_15 = arith.constant 0 : i32
      %dma_wait3A_16 = tpu.memref_slice %arg3[%mul3A_2, %dma_wait3A_15] : memref<8192x2xi32, #tpu.memory_space<hbm>> -> memref<256x2xi32, #tpu.memory_space<hbm>>
      tpu.wait_dma2 semaphore(%run_scoped3A : memref<!tpu.dma_semaphore, #tpu.memory_space<semaphore_mem>>) src(%arg6 : memref<256x2xi32, #tpu.memory_space<vmem>>) dst(%dma_wait3A_16 : memref<256x2xi32, #tpu.memory_space<hbm>>)
      tpu.yield
    }) : () -> ()
    "tpu.region"() ({
      %run_scoped3A = tpu.sem_alloc : memref<!tpu.dma_semaphore, #tpu.memory_space<semaphore_mem>>
      %dma_start3A = arith.constant 0 : i32
      %dma_start3A_11 = tpu.memref_slice %arg4[%mul3A_2, %dma_start3A] : memref<8192x2xf32, #tpu.memory_space<hbm>> -> memref<256x2xf32, #tpu.memory_space<hbm>>
      %dma_start3A_12 = arith.constant 0 : i32
      %dma_start3A_13 = tpu.memref_slice %arg4[%mul3A_2, %dma_start3A_12] : memref<8192x2xf32, #tpu.memory_space<hbm>> -> memref<256x2xf32, #tpu.memory_space<hbm>>
      tpu.enqueue_dma source(%arg7 : memref<256x2xf32, #tpu.memory_space<vmem>>) target(%dma_start3A_13 : memref<256x2xf32, #tpu.memory_space<hbm>>) target_semaphore(%run_scoped3A : memref<!tpu.dma_semaphore, #tpu.memory_space<semaphore_mem>>)
      %dma_wait3A = arith.constant 0 : i32
      %dma_wait3A_14 = tpu.memref_slice %arg4[%mul3A_2, %dma_wait3A] : memref<8192x2xf32, #tpu.memory_space<hbm>> -> memref<256x2xf32, #tpu.memory_space<hbm>>
      %dma_wait3A_15 = arith.constant 0 : i32
      %dma_wait3A_16 = tpu.memref_slice %arg4[%mul3A_2, %dma_wait3A_15] : memref<8192x2xf32, #tpu.memory_space<hbm>> -> memref<256x2xf32, #tpu.memory_space<hbm>>
      tpu.wait_dma2 semaphore(%run_scoped3A : memref<!tpu.dma_semaphore, #tpu.memory_space<semaphore_mem>>) src(%arg7 : memref<256x2xf32, #tpu.memory_space<vmem>>) dst(%dma_wait3A_16 : memref<256x2xf32, #tpu.memory_space<hbm>>)
      tpu.yield
    }) : () -> ()
    return
  }
}

module attributes {stable_mosaic.version = 14 : i64} {
  func.func @_router_tc_kernel(%arg0: i32, %arg1: memref<512x4096xf32, #tpu.memory_space<vmem>>, %arg2: memref<64x4096xf32, #tpu.memory_space<vmem>>, %arg3: memref<512x64xf32, #tpu.memory_space<vmem>>, %arg4: memref<2xf32, #tpu.memory_space<smem>>, %arg5: memref<1x64xf32, #tpu.memory_space<vmem>>, %arg6: memref<1xf32, #tpu.memory_space<smem>>) attributes {dimension_semantics = [#tpu.dimension_semantics<arbitrary>], iteration_bounds = array<i64: 16>, scalar_prefetch = 0 : i64, scratch_operands = 2 : i64, tpu.core_type = #tpu.core_type<tc>, window_params = [{transform_indices = @transform_0, window_bounds = array<i64: 512, 4096>}, {pipeline_mode = #tpu.pipeline_mode<synchronous>, transform_indices = @transform_1, window_bounds = array<i64: 64, 4096>}, {transform_indices = @transform_2, window_bounds = array<i64: 512, 64>}, {transform_indices = @transform_3, window_bounds = array<i64: 2>}]} {
    %eq3A = arith.constant 0 : i32
    %eq3A_0 = arith.cmpi eq, %arg0, %eq3A : i32
    %convert_element_type3A = arith.extui %eq3A_0 : i1 to i32
    %cond3A = arith.constant 0 : i32
    %cond3A_1 = arith.cmpi ne, %convert_element_type3A, %cond3A : i32
    scf.if %cond3A_1 {
      %broadcast_in_dim3A_43 = arith.constant 0.000000e+00 : f32
      %broadcast_in_dim3A_44 = vector.broadcast %broadcast_in_dim3A_43 : f32 to vector<1x64xf32>
      %swap3A_45 = arith.constant 0 : index
      %swap3A_46 = arith.constant 0 : index
      %swap3A_47 = vector.load %arg5[%swap3A_45, %swap3A_46] : memref<1x64xf32, #tpu.memory_space<vmem>>, vector<1x64xf32>
      tpu.vector_store %arg5[%swap3A_45, %swap3A_46], %broadcast_in_dim3A_44 {strides = array<i32>} : memref<1x64xf32, #tpu.memory_space<vmem>>, vector<1x64xf32>,
      %swap3A_48 = arith.constant 0.000000e+00 : f32
      %swap3A_49 = arith.constant 0 : index
      %swap3A_50 = memref.load %arg6[%swap3A_49] : memref<1xf32, #tpu.memory_space<smem>>
      memref.store %swap3A_48, %arg6[%swap3A_49] : memref<1xf32, #tpu.memory_space<smem>>
    } else {
    }
    %get3A = arith.constant 0 : index
    %get3A_2 = arith.constant 0 : index
    %get3A_3 = vector.load %arg1[%get3A, %get3A_2] : memref<512x4096xf32, #tpu.memory_space<vmem>>, vector<512x4096xf32>
    %get3A_4 = arith.constant 0 : index
    %get3A_5 = arith.constant 0 : index
    %get3A_6 = vector.load %arg2[%get3A_4, %get3A_5] : memref<64x4096xf32, #tpu.memory_space<vmem>>, vector<64x4096xf32>
    %dot_general3A = arith.constant dense<0.000000e+00> : vector<512x64xf32>
    %dot_general3A_7 = tpu.matmul %get3A_3, %get3A_6, %dot_general3A {dimension_numbers = #tpu.dot_dimension_numbers<[1], [1], [0], [0], [0, 0, 1, 0], [], []>, transpose_lhs_hint = false} : vector<512x4096xf32>, vector<64x4096xf32>, vector<512x64xf32> -> vector<512x64xf32>
    %swap3A = arith.constant 0 : index
    %swap3A_8 = arith.constant 0 : index
    %swap3A_9 = vector.load %arg3[%swap3A, %swap3A_8] : memref<512x64xf32, #tpu.memory_space<vmem>>, vector<512x64xf32>
    tpu.vector_store %arg3[%swap3A, %swap3A_8], %dot_general3A_7 {strides = array<i32>} : memref<512x64xf32, #tpu.memory_space<vmem>>, vector<512x64xf32>,
    %reduce_max3A = arith.constant dense<0xFF800000> : vector<512xf32>
    %reduce_max3A_10 = vector.multi_reduction <maximumf>, %dot_general3A_7, %reduce_max3A [1] : vector<512x64xf32> to vector<512xf32>
    %broadcast_in_dim3A = vector.shape_cast %reduce_max3A_10 : vector<512xf32> to vector<512x1xf32>
    %sub3A = vector.broadcast %broadcast_in_dim3A : vector<512x1xf32> to vector<512x64xf32>
    %sub3A_11 = arith.subf %dot_general3A_7, %sub3A : vector<512x64xf32>
    %exp3A = math.exp %sub3A_11 : vector<512x64xf32>
    %reduce_sum3A = arith.constant dense<0.000000e+00> : vector<512xf32>
    %reduce_sum3A_12 = vector.multi_reduction <add>, %exp3A, %reduce_sum3A [1] : vector<512x64xf32> to vector<512xf32>
    %broadcast_in_dim3A_13 = vector.shape_cast %reduce_sum3A_12 : vector<512xf32> to vector<512x1xf32>
    %div3A = vector.broadcast %broadcast_in_dim3A_13 : vector<512x1xf32> to vector<512x64xf32>
    %div3A_14 = arith.divf %exp3A, %div3A : vector<512x64xf32>
    %get3A_15 = arith.constant 0 : index
    %get3A_16 = arith.constant 0 : index
    %get3A_17 = vector.load %arg5[%get3A_15, %get3A_16] : memref<1x64xf32, #tpu.memory_space<vmem>>, vector<1x64xf32>
    %reduce_sum3A_18 = arith.constant dense<0.000000e+00> : vector<64xf32>
    %reduce_sum3A_19 = vector.multi_reduction <add>, %div3A_14, %reduce_sum3A_18 [0] : vector<512x64xf32> to vector<64xf32>
    %broadcast_in_dim3A_20 = vector.shape_cast %reduce_sum3A_19 : vector<64xf32> to vector<1x64xf32>
    %add3A = arith.addf %get3A_17, %broadcast_in_dim3A_20 : vector<1x64xf32>
    %swap3A_21 = arith.constant 0 : index
    %swap3A_22 = arith.constant 0 : index
    %swap3A_23 = vector.load %arg5[%swap3A_21, %swap3A_22] : memref<1x64xf32, #tpu.memory_space<vmem>>, vector<1x64xf32>
    tpu.vector_store %arg5[%swap3A_21, %swap3A_22], %add3A {strides = array<i32>} : memref<1x64xf32, #tpu.memory_space<vmem>>, vector<1x64xf32>,
    %get3A_24 = arith.constant 0 : index
    %get3A_25 = memref.load %arg6[%get3A_24] : memref<1xf32, #tpu.memory_space<smem>>
    %add3A_26 = arith.constant 9.99999993E-9 : f32
    %add3A_27 = vector.broadcast %add3A_26 : f32 to vector<512x64xf32>
    %add3A_28 = arith.addf %div3A_14, %add3A_27 : vector<512x64xf32>
    %log3A = math.log %add3A_28 : vector<512x64xf32>
    %mul3A = arith.mulf %div3A_14, %log3A : vector<512x64xf32>
    %reduce_sum3A_29 = vector.shape_cast %mul3A : vector<512x64xf32> to vector<1x512x64xf32>
    %reduce_sum3A_30 = arith.constant dense<0.000000e+00> : vector<1xf32>
    %reduce_sum3A_31 = vector.multi_reduction <add>, %reduce_sum3A_29, %reduce_sum3A_30 [1, 2] : vector<1x512x64xf32> to vector<1xf32>
    %reduce_sum3A_32 = vector.shape_cast %reduce_sum3A_31 : vector<1xf32> to vector<1x1x1xf32>
    %reduce_sum3A_33 = vector.extract %reduce_sum3A_32[0, 0, 0] : f32 from vector<1x1x1xf32>
    %neg3A = arith.constant 0.000000e+00 : f32
    %neg3A_34 = arith.subf %neg3A, %reduce_sum3A_33 : f32
    %add3A_35 = arith.addf %get3A_25, %neg3A_34 : f32
    %swap3A_36 = arith.constant 0 : index
    %swap3A_37 = memref.load %arg6[%swap3A_36] : memref<1xf32, #tpu.memory_space<smem>>
    memref.store %add3A_35, %arg6[%swap3A_36] : memref<1xf32, #tpu.memory_space<smem>>
    %eq3A_38 = arith.constant 15 : i32
    %eq3A_39 = arith.cmpi eq, %arg0, %eq3A_38 : i32
    %convert_element_type3A_40 = arith.extui %eq3A_39 : i1 to i32
    %cond3A_41 = arith.constant 0 : i32
    %cond3A_42 = arith.cmpi ne, %convert_element_type3A_40, %cond3A_41 : i32
    scf.if %cond3A_42 {
      %get3A_43 = arith.constant 0 : index
      %get3A_44 = arith.constant 0 : index
      %get3A_45 = vector.load %arg5[%get3A_43, %get3A_44] : memref<1x64xf32, #tpu.memory_space<vmem>>, vector<1x64xf32>
      %div3A_46 = arith.constant 8.192000e+03 : f32
      %div3A_47 = vector.broadcast %div3A_46 : f32 to vector<1x64xf32>
      %div3A_48 = arith.divf %get3A_45, %div3A_47 : vector<1x64xf32>
      %reduce_sum3A_49 = vector.shape_cast %div3A_48 : vector<1x64xf32> to vector<1x1x64xf32>
      %reduce_sum3A_50 = arith.constant dense<0.000000e+00> : vector<1xf32>
      %reduce_sum3A_51 = vector.multi_reduction <add>, %reduce_sum3A_49, %reduce_sum3A_50 [1, 2] : vector<1x1x64xf32> to vector<1xf32>
      %reduce_sum3A_52 = vector.shape_cast %reduce_sum3A_51 : vector<1xf32> to vector<1x1x1xf32>
      %reduce_sum3A_53 = vector.extract %reduce_sum3A_52[0, 0, 0] : f32 from vector<1x1x1xf32>
      %div3A_54 = arith.constant 6.400000e+01 : f32
      %div3A_55 = arith.divf %reduce_sum3A_53, %div3A_54 : f32
      %sub3A_56 = vector.broadcast %div3A_55 : f32 to vector<1x64xf32>
      %sub3A_57 = arith.subf %div3A_48, %sub3A_56 : vector<1x64xf32>
      %integer_pow3A = arith.mulf %sub3A_57, %sub3A_57 : vector<1x64xf32>
      %reduce_sum3A_58 = vector.shape_cast %integer_pow3A : vector<1x64xf32> to vector<1x1x64xf32>
      %reduce_sum3A_59 = arith.constant dense<0.000000e+00> : vector<1xf32>
      %reduce_sum3A_60 = vector.multi_reduction <add>, %reduce_sum3A_58, %reduce_sum3A_59 [1, 2] : vector<1x1x64xf32> to vector<1xf32>
      %reduce_sum3A_61 = vector.shape_cast %reduce_sum3A_60 : vector<1xf32> to vector<1x1x1xf32>
      %reduce_sum3A_62 = vector.extract %reduce_sum3A_61[0, 0, 0] : f32 from vector<1x1x1xf32>
      %div3A_63 = arith.constant 6.300000e+01 : f32
      %div3A_64 = arith.divf %reduce_sum3A_62, %div3A_63 : f32
      %swap3A_65 = arith.constant 0 : index
      %swap3A_66 = memref.load %arg4[%swap3A_65] : memref<2xf32, #tpu.memory_space<smem>>
      memref.store %div3A_64, %arg4[%swap3A_65] : memref<2xf32, #tpu.memory_space<smem>>
      %get3A_67 = arith.constant 0 : index
      %get3A_68 = memref.load %arg6[%get3A_67] : memref<1xf32, #tpu.memory_space<smem>>
      %div3A_69 = arith.constant 8.192000e+03 : f32
      %div3A_70 = arith.divf %get3A_68, %div3A_69 : f32
      %swap3A_71 = arith.constant 1 : index
      %swap3A_72 = memref.load %arg4[%swap3A_71] : memref<2xf32, #tpu.memory_space<smem>>
      memref.store %div3A_70, %arg4[%swap3A_71] : memref<2xf32, #tpu.memory_space<smem>>
    } else {
    }
    return
  }
  func.func @transform_0(%arg0: i32) -> (i32, i32) {
    %c0_i32 = arith.constant 0 : i32
    %c0_i32_0 = arith.constant 0 : i32
    return %arg0, %c0_i32 : i32, i32
  }
  func.func @transform_1(%arg0: i32) -> (i32, i32) {
    %c0_i32 = arith.constant 0 : i32
    %c0_i32_0 = arith.constant 0 : i32
    %c0_i32_1 = arith.constant 0 : i32
    return %c0_i32, %c0_i32_0 : i32, i32
  }
  func.func @transform_2(%arg0: i32) -> (i32, i32) {
    %c0_i32 = arith.constant 0 : i32
    %c0_i32_0 = arith.constant 0 : i32
    return %arg0, %c0_i32 : i32, i32
  }
  func.func @transform_3(%arg0: i32) -> i32 {
    %c0_i32 = arith.constant 0 : i32
    %c0_i32_0 = arith.constant 0 : i32
    return %c0_i32 : i32
  }
}

</mosaic_0001>

<sc_bundles>
// kernel: kernel.4.cloned.1.call-start
scs
__scs_entry_jumppad:
0x0: {  	(pc) =	sbr.rel $0x88, $3  }
0x1: {  	(tag) =	ssettag $0x0;
	lr =	simm.s32 $0x1  }
0x2: {  	[smem:$0x3F9F] =	sst lr;
	_ =	strace $0xD0000000  }
0x3: {  	_ = 	snop  }
0x4: {  	_ = 	snop  }
0x5: {  	_ = 	snop  }
0x6: {  	_ = 	snop  }
0x7: {  	_ = 	snop  }
__scs_overlays_trampoline_lowered:
0x8: {  	[smem:$0x3FAE] =	sst s0  }
0x9: {  	[smem:$0x3FAF] =	sst s1  }
0xa: {  	[smem:$0x3FB0] =	sst s2  }
0xb: {  	[smem:$0x3FB1] =	sst s3  }
0xc: {  	[smem:$0x3FB2] =	sst s4  }
0xd: {  	[smem:$0x3FB3] =	sst s5  }
0xe: {  	[smem:$0x3FB4] =	sst s6  }
0xf: {  	[smem:$0x3FB5] =	sst s7  }
0x10: {  	[smem:$0x3FB6] =	sst s8  }
0x11: {  	[smem:$0x3FB7] =	sst s9;
	s0 =	simm.s32 @!p0 $0x0  }
0x12: {  	s1 =	sld [smem:$0x3F9D];
	s0 =	simm.s32 @p0 $0x1  }
0x13: {  	[smem:$0x3FB8] =	sst s0;
	s0 =	simm.s32 @!p1 $0x0  }
0x14: {  	s2 =	sld [smem:$0x3F9C];
	s0 =	simm.s32 @p1 $0x1  }
0x15: {  	[smem:$0x3FB9] =	sst s0;
	s0 =	simm.s32 @!p2 $0x0  }
0x16: {  	s3 =	sld [smem:$0x3FDB];
	s0 =	simm.s32 @p2 $0x1  }
0x17: {  	s4 =	simm.s32 $0x1BF5;
	[smem:$0x3FBB] =	sst s0  }
0x18: {  	s0 =	sld [smem:$0x3F9E];
	_ =	swait.ge [sflag:s4], $0x0  }
0x19: {  	s7 =	sld [smem:$0x3F9F]  }
0x1a: {  	s8 =	sadd.s32 $0xFFFFE003, lr  }
0x1b: {  	s9 =	sadd.s32 $0xFFFFFEF7, lr;
	s5 =	simm.s32 $0xFFFFFFFF;
	p2 =	slt.u32 s8, $0xFFFFF086  }
0x1c: {  	p1 =	slt.u32 s9, $0xF7A;
	s5 =	simm.s32 @!p2 $0x0  }
0x1d: {  	s5 =	simm.s32 @p1 $0x1;
	p0 =	seq.s32 s7, s2  }
0x1e: {  	s7 =	smul.u32 @!p0 $0xF7A, s2;
	p2 =	seq.s32 @!p0 s5, $0x0  }
0x1f: {  	s9 =	smul.u32 $0xF7A, s1;
	s8 =	simm.s32 @!p0 $0x1BF5;
	p2 =	por !p2, p0  }
0x20: {  	[sflag:s8] =	ssyncset.s32 @!p0 $0xFFFFF086;
	s6 =	sadd.s32 @!p0 s3, s7;
	s7 =	simm.s32 @!p0 $0x108  }
0x21: {  	s3 =	sadd.s32 s3, s9;
	s6 =	sadd.s32 @!p0 $0x88, s6;
	s7 =	simm.s32 @p2 $0x1082  }
0x22: {  	[simem:s7], [sflag:s8] =	dma.local @!p0 [hbm:s6], $0xF7A  }
0x23: {  	s9 =	sor.u32 $0xD0000000, s2;
	s6 =	simm.s32 $0x108;
	_ =	swait.ge @!p0 [sflag:s8], $0x0  }
0x24: {  	s3 =	sadd.s32 $0x88, s3;
	s6 =	simm.s32 @!p1 $0x1082;
	[sflag:s4] =	ssyncset.s32 $0xFFFFF086  }
0x25: {  	[simem:s6], [sflag:s4] =	dma.local [hbm:s3], $0xF7A  }
0x26: {  	[smem:$0x3F9F] =	sst s1;
	(tag) =	ssettag s2;
	_ =	strace s9  }
0x27: {  	s1 =	sld [smem:$0x3FAF]  }
0x28: {  	s2 =	sld [smem:$0x3FB0]  }
0x29: {  	s4 =	sld [smem:$0x3FB2]  }
0x2a: {  	p0 =	seq.s32 s5, $0x0;
	s5 =	sld [smem:$0x3FB3]  }
0x2b: {  	s6 =	sld [smem:$0x3FB4]  }
0x2c: {  	s7 =	sld [smem:$0x3FB5]  }
0x2d: {  	s3 =	simm.s32 $0x108;
	s8 =	sld [smem:$0x3FB6]  }
0x2e: {  	s3 =	simm.s32 @!p0 $0x1082;
	s9 =	sld [smem:$0x3FB7]  }
0x2f: {  	lr =	sadd.s32 s0, s3;
	s0 =	sld [smem:$0x3FAE]  }
0x30: {  	s3 =	sld [smem:$0x3FB1]  }
0x31: {  	[smem:$0x3FBA] =	sst s10  }
0x32: {  	s10 =	sld [smem:$0x3FB8];
	_ =	sdelay $0x3  }
0x33: {  	p0 =	seq.s32 s10, $0x1;
	s10 =	sld [smem:$0x3FBA];
	_ =	sdelay $0x3  }
0x34: {  	[smem:$0x3FBA] =	sst s10  }
0x35: {  	s10 =	sld [smem:$0x3FB9];
	_ =	sdelay $0x3  }
0x36: {  	p1 =	seq.s32 s10, $0x1;
	s10 =	sld [smem:$0x3FBA];
	_ =	sdelay $0x3  }
0x37: {  	[smem:$0x3FBA] =	sst s10  }
0x38: {  	s10 =	sld [smem:$0x3FBB]  }
0x39: {  	_ = 	snop;
	(pc) =	sbr.ind lr, $3  }
0x3a: {  	_ = 	snop  }
0x3b: {  	_ = 	snop  }
0x3c: {  	p2 =	seq.s32 s10, $0x1;
	s10 =	sld [smem:$0x3FBA]  }
0x3d: {  	_ =	shalt  }
0x3e: {  	_ =	shalt  }
0x3f: {  	_ =	shalt  }
0x40: {  	_ =	shalt  }
0x41: {  	_ =	shalt  }
0x42: {  	_ =	shalt  }
0x43: {  	_ =	shalt  }
0x44: {  	_ =	shalt  }
0x45: {  	_ =	shalt  }
0x46: {  	_ =	shalt  }
0x47: {  	_ =	shalt  }
0x48: {  	_ =	shalt  }
0x49: {  	_ =	shalt  }
0x4a: {  	_ =	shalt  }
0x4b: {  	_ =	shalt  }
0x4c: {  	_ =	shalt  }
0x4d: {  	_ =	shalt  }
0x4e: {  	_ =	shalt  }
0x4f: {  	_ =	shalt  }
0x50: {  	_ =	shalt  }
0x51: {  	_ =	shalt  }
0x52: {  	_ =	shalt  }
0x53: {  	_ =	shalt  }
0x54: {  	_ =	shalt  }
0x55: {  	_ =	shalt  }
0x56: {  	_ =	shalt  }
0x57: {  	_ =	shalt  }
0x58: {  	_ =	shalt  }
0x59: {  	_ =	shalt  }
0x5a: {  	_ =	shalt  }
0x5b: {  	_ =	shalt  }
0x5c: {  	_ =	shalt  }
0x5d: {  	_ =	shalt  }
0x5e: {  	_ =	shalt  }
0x5f: {  	_ =	shalt  }
0x60: {  	_ =	shalt  }
0x61: {  	_ =	shalt  }
0x62: {  	_ =	shalt  }
0x63: {  	_ =	shalt  }
0x64: {  	_ =	shalt  }
0x65: {  	_ =	shalt  }
0x66: {  	_ =	shalt  }
0x67: {  	_ =	shalt  }
0x68: {  	_ =	shalt  }
0x69: {  	_ =	shalt  }
0x6a: {  	_ =	shalt  }
0x6b: {  	_ =	shalt  }
0x6c: {  	_ =	shalt  }
0x6d: {  	_ =	shalt  }
0x6e: {  	_ =	shalt  }
0x6f: {  	_ =	shalt  }
0x70: {  	_ =	shalt  }
0x71: {  	_ =	shalt  }
0x72: {  	_ =	shalt  }
0x73: {  	_ =	shalt  }
0x74: {  	_ =	shalt  }
0x75: {  	_ =	shalt  }
0x76: {  	_ =	shalt  }
0x77: {  	_ =	shalt  }
0x78: {  	_ =	shalt  }
0x79: {  	_ =	shalt  }
0x7a: {  	_ =	shalt  }
0x7b: {  	_ =	shalt  }
0x7c: {  	_ =	shalt  }
0x7d: {  	_ =	shalt  }
0x7e: {  	_ =	shalt  }
0x7f: {  	_ =	shalt  }
0x80: {  	_ =	shalt  }
0x81: {  	_ =	shalt  }
0x82: {  	_ =	shalt  }
0x83: {  	_ =	shalt  }
0x84: {  	_ =	shalt  }
0x85: {  	_ =	shalt  }
0x86: {  	_ =	shalt  }
0x87: {  	_ =	shalt  }
.Lfunc_end0:
.L_simem_size_0:
called_computation_lowered:
.L_overlay_start_0:
0x88: {  	s2 =	sld [smem:$0x3FD9]  }
0x89: {  	s3 =	sld [smem:$0x3FFE];
	_ =	sdelay $0x1  }
0x8a: {  	s1 =	srdreg.scid  }
0x8b: {  	s0 =	sand.u32 $0x1, s1  }
0x8c: {  	s16 =	sshll.u32 s0, $0xA;
	s2 =	sadd.s32 s3, s2  }
0x8d: {  	s2 =	sadd.s32 s2, s16  }
0x8e: {  	[smem:$0x3FC6] =	sst s2  }
0x8f: {  	_ = 	snop  }
0x90: {  	(tm) =	ssettm $0x1  }
0x91: {  	s17 =	sld [smem:$0x3FFB];
	_ =	sdelay $0x3  }
0x92: {  	_ =	strace s17  }
0x93: {  	s2 =	sld [smem:$0x3FFC];
	_ =	sdelay $0x3  }
0x94: {  	_ =	strace s2  }
0x95: {  	s2 =	sld [smem:$0x3FFD];
	_ =	sdelay $0x3  }
0x96: {  	_ =	strace s2  }
0x97: {  	_ =	strace $0x8FFFFFFF  }
0x98: {  	s18 =	sld [smem:$0x3FDB];
	_ =	sdelay $0x1  }
0x99: {  	s19 =	simm.s32 $_scs_section_size  }
0x9a: {  	s4 =	simm.s32 $_size__tile_overlayer_lowered;
	s5 =	simm.s32 $_tile_overlayer_lowered  }
0x9b: {  	s22 =	simm.s32 $0x1BFF;
	s21 =	sshll.u32 s5, $0x1;
	s2 =	sadd.s32 s19, s18  }
0x9c: {  	s6 =	simm.s32 $0x0;
	s20 =	sshll.u32 s4, $0x1;
	s4 =	sadd.s32 s21, s2  }
0x9d: {  	[timem:s6], [sflag:s22] =	dma.local [hbm:s4], s20  }
0x9e: {  	_ =	swait.ge [sflag:s22], s20  }
0x9f: {  	s3 =	ssub.s32 $0x0, s20;
	[sflag:s22] =	ssyncset.done $0x0  }
0xa0: {  	[sflag:s22] =	ssyncadd.s32 s3;
	_ =	sdelay $0x1  }
0xa1: {  	s23 =	simm.s32 $0x1B8B  }
0xa2: {  	_ =	swait.ge [sflag:s23], $0x1  }
0xa3: {  	[sflag:s23] =	ssyncset.done $0x0  }
0xa4: {  	s25 =	simm.s32 $0x1B8E;
	s24 =	sld [smem:$0x3FFE];
	[sflag:s23] =	ssyncadd.s32 $0xFFFFFFFF  }
0xa5: {  	s26 =	simm.s32 $execute0_lowered;
	[smem:$0x3FD2] =	sst s25  }
0xa6: {  	s4 =	sshll.u32 s26, $0x1;
	_ =	strace $0x80000046;
	[dreg:$0x1] =	wrdreg $0xFFFFFFFF  }
0xa7: {  	s28 =	simm.s32 $_size_execute0_lowered;
	s2 =	sadd.s32 s2, s4;
	[dreg:$0x0] =	wrdreg $0x0  }
0xa8: {  	s4 =	sshll.u32 s28, $0x1;
	[dreg:$0x2] =	wrdreg s2  }
0xa9: {  	[dreg:$0x3] =	wrdreg s4  }
0xaa: {  	[dreg:$0x4] =	wrdreg $0xC0  }
0xab: {  	_ =	task [dreg:s6], $0x5FFFF  }
0xac: {  	[dreg:$0x1] =	wrdreg $0xFFFFFFFF  }
0xad: {  	[dreg:$0x0] =	wrdreg $0x60  }
0xae: {  	[dreg:$0x2] =	wrdreg s24  }
0xaf: {  	[dreg:$0x3] =	wrdreg $0x9  }
0xb0: {  	_ =	task.clear_ibuf [dreg:s6], $0x4FFFF;
	_ =	strace $0x90000046  }
0xb1: {  	s29 =	simm.s32 $0x9;
	_ =	strace $0x80000048  }
0xb2: {  	_ =	swait.ge [sflag:s29], $0x1  }
0xb3: {  	[sflag:s29] =	ssyncadd.s32 $0xFFFFFFFF  }
0xb4: {  	_ =	strace $0x90000048  }
0xb5: {  	_ =	sfence  }
0xb6: {  	s30 =	sld [smem:$0x0];
	_ =	sdelay $0x2  }
0xb7: {  	s31 =	sshll.u32 s1, $0xD;
	s1 =	sshrl.u32 s1, $0x2  }
0xb8: {  	s3 =	sand.u32 $0x4000, s31;
	s1 =	sadd.s32 s1, s30  }
0xb9: {  	s0 =	sor.u32 s3, s0;
	s1 =	sshll.u32 s1, $0x11  }
0xba: {  	s0 =	sor.u32 s1, s0  }
0xbb: {  	s0 =	sadd.s32 $0x8F2B, s0  }
0xbc: {  	[sflag:s0] =	ssyncadd.remote.s32 $0x1  }
0xbd: {  	_ =	sfence.sel $0xFFFF  }
0xbe: {  	[dreg:$0x0] =	wrdreg $0xFFFFFFFF;
	(pc) =	sbr.abs _section_cstart, $3  }
0xbf: {  	[dreg:$0x1] =	wrdreg $0xFFFFFFFF  }
0xc0: {  	_ =	task.clear_ibuf [dreg:s6], $0x2FFFF;
	_ =	strace $0x9FFFFFFF  }
0xc1: {  	(tm) =	ssettm $0x7FFFFFFF  }
tec
execute0_lowered:
.L_overlay_start_1:
0x0: {  	(tag) =	ssettag $0x1  }
0x1: {  	s3 =	rddreg [dreg:$0x0];
	s2 =	srdreg.scid  }
0x2: {  	s0 =	rddreg [dreg:$0x1];
	s1 =	stileid.u32;
	s7 =	simm.s32 $0x1  }
0x3: {  	s8 =	simm.s32 $0x8000;
	s9 =	simm.s32 $0x10000;
	s4 =	sand.u32 $0x1, s2  }
0x4: {  	s10 =	simm.s32 $0x0;
	s5 =	sshll.u32 s1, $0xD;
	s6 =	sshll.u32 s4, $0xC  }
0x5: {  	s2 =	simm.s32 $0x0;
	s4 =	ssub.s32 $0x2, s4;
	s5 =	sor.u32 s6, s5  }
0x6: {  	[smem:$0x7FF] =	sst s2;
	s30 =	sshrl.u32 s4, $0x1;
	s5 =	sadd.s32 s5, s3  }
0x7: {  	v0 =	vlaneseq.u32;
	_ =	strace $0x80000047;
	s31 =	ssub.s32 s4, s30;
	s3 =	sadd.s32 $0x1400, s5  }
0x8: {  	v0 =	vmul.u32 $0x80, v0;
	s4 =	sadd.s32 $0x21400, s5;
	s5 =	sadd.s32 $0x41400, s5;
	s6 =	smax.u32 s31, $0x1  }
.LBB2_1:
0x9: {  	[tilespmem:s2], [sflag:$0x1] =	stream.linear.gather [hbm4b:s3+s2], $0x8000, $0x38;
	[tilespmem:$0x18000] =	vst v63  }
0xa: {  	_ =	swait.ge [sflag:s7], $0x8000  }
0xb: {  	[sflag:s7] =	ssyncset.done $0x0  }
0xc: {  	s11 =	simm.s32 $0x0;
	[sflag:s7] =	ssyncadd.s32 $0xFFFF8000  }
.LBB2_2:
0xd: {  	s12 =	sshll.u32 s11, $0x4  }
0xe: {  	v1 =	vmov s12  }
0xf: {  	v1 =	vshll.u32 v1, $0x7  }
0x10: {  	s31 =	simm.s32 $0x0;
	v1 =	vor.u32 v0, v1  }
0x11: {  	v2 =	vor.u32 s31, v1;
	_ =	sdelay $0x1  }
0x12: {  	s15 =	simm.s32 $0x1  }
0x13: {  	v3 =	vor.u32 s15, v1;
	_ =	sdelay $0x1  }
0x14: {  	s16 =	simm.s32 $0x2;
	v2 =	vld.idx.msk [tilespmem:v2+s2+$0x0], $0xffff  }
0x15: {  	v4 =	vor.u32 s16, v1;
	_ =	sdelay $0x1  }
0x16: {  	s17 =	simm.s32 $0x3;
	v3 =	vld.idx.msk [tilespmem:v3+s2+$0x0], $0xffff  }
0x17: {  	v5 =	vimm.f32 $-Inf;
	v6 =	vor.u32 s17, v1  }
0x18: {  	vm0 =	vgt.f32 v2, v5  }
0x19: {  	v7 =	vimm.s32 $0x0;
	s13 =	simm.s32 $0x4;
	v8 =	vld.idx.msk [tilespmem:v4+s2+$0x0], $0xffff;
	v2 =	vsel vm0, v2, v5  }
0x1a: {  	s14 =	simm.s32 $0x5;
	v4 =	vor.u32 s13, v1;
	v9 =	vsel vm0, s31, v7;
	v5 =	vsel vm0, v5, v2  }
0x1b: {  	v10 =	vor.u32 s14, v1;
	v7 =	vsel vm0, v7, v9;
	vm0 =	vgt.f32 v3, v5  }
0x1c: {  	v11 =	vld.idx.msk [tilespmem:v6+s2+$0x0], $0xffff;
	vm1 =	vgt.f32 v3, v2;
	v5 =	vsel vm0, v3, v5;
	v6 =	vsel vm0, s15, v7  }
0x1d: {  	v7 =	vsel vm1, s15, v9;
	s15 =	simm.s32 $0x6;
	v5 =	vsel vm1, v2, v5;
	v6 =	vsel vm1, v9, v6  }
0x1e: {  	v2 =	vsel vm1, v3, v2;
	v3 =	vor.u32 s15, v1;
	vm0 =	vgt.f32 v8, v5  }
0x1f: {  	v4 =	vld.idx.msk [tilespmem:v4+s2+$0x0], $0xffff;
	vm1 =	vgt.f32 v8, v2;
	v5 =	vsel vm0, v8, v5;
	v6 =	vsel vm0, s16, v6  }
0x20: {  	v9 =	vsel vm1, s16, v7;
	s16 =	simm.s32 $0x7;
	v12 =	vsel vm1, v8, v2;
	v5 =	vsel vm1, v2, v5  }
0x21: {  	v6 =	vsel vm1, v7, v6;
	v7 =	vor.u32 s16, v1;
	vm0 =	vgt.f32 v11, v5  }
0x22: {  	s12 =	simm.s32 $0x8;
	vm1 =	vgt.f32 v11, v12;
	v2 =	vsel vm0, v11, v5;
	v5 =	vsel vm0, s17, v6;
	v6 =	vld.idx.msk [tilespmem:v10+s2+$0x0], $0xffff  }
0x23: {  	v8 =	vor.u32 s12, v1;
	v13 =	vsel vm1, v12, v2;
	v14 =	vsel vm1, v9, v5  }
0x24: {  	v2 =	vsel vm1, s17, v9;
	v9 =	vsel vm1, v11, v12;
	vm1 =	vgt.f32 v4, v13  }
0x25: {  	v5 =	vld.idx.msk [tilespmem:v3+s2+$0x0], $0xffff;
	s17 =	simm.s32 $0x10;
	vm0 =	vgt.f32 v4, v9;
	v10 =	vsel vm1, v4, v13;
	v3 =	vsel vm1, s13, v14  }
.LBB2_3:
0x26: {  	p0 =	slt.u32 s17, $0x38;
	s19 =	sadd.s32 $0x1, s12;
	v10 =	vsel vm0, v9, v10;
	v3 =	vsel vm0, v2, v3;
	v2 =	vsel vm0, s13, v2  }
0x27: {  	v4 =	vsel vm0, v4, v9;
	v11 =	vor.u32 s19, v1;
	vm0 =	vgt.f32 v6, v10;
	v7 =	vld.idx.msk [tilespmem:v7+s2+$0x0], $0xffff  }
0x28: {  	vm1 =	vgt.f32 v6, v4;
	v9 =	vsel vm0, v6, v10;
	v3 =	vsel vm0, s14, v3  }
0x29: {  	s20 =	sadd.s32 $0x2, s12;
	v9 =	vsel vm1, v4, v9;
	v3 =	vsel vm1, v2, v3;
	v2 =	vsel vm1, s14, v2  }
0x2a: {  	v10 =	vor.u32 s20, v1;
	v4 =	vsel vm1, v6, v4;
	v8 =	vld.idx.msk [tilespmem:v8+s2+$0x0], $0xffff;
	vm0 =	vgt.f32 v5, v9  }
0x2b: {  	vm1 =	vgt.f32 v5, v4;
	v6 =	vsel vm0, v5, v9;
	v3 =	vsel vm0, s15, v3  }
0x2c: {  	s18 =	sadd.s32 $0x3, s12;
	v6 =	vsel vm1, v4, v6;
	v3 =	vsel vm1, v2, v3;
	v2 =	vsel vm1, s15, v2  }
0x2d: {  	v4 =	vsel vm1, v5, v4;
	v9 =	vld.idx.msk [tilespmem:v11+s2+$0x0], $0xffff;
	v11 =	vor.u32 s18, v1;
	vm0 =	vgt.f32 v7, v6  }
0x2e: {  	vm1 =	vgt.f32 v7, v4;
	v5 =	vsel vm0, v7, v6;
	v3 =	vsel vm0, s16, v3  }
0x2f: {  	s13 =	sadd.s32 $0x4, s12;
	v5 =	vsel vm1, v4, v5;
	v3 =	vsel vm1, v2, v3;
	v4 =	vsel vm1, v7, v4  }
0x30: {  	v7 =	vor.u32 s13, v1;
	v2 =	vsel vm1, s16, v2;
	vm0 =	vgt.f32 v8, v5;
	v6 =	vld.idx.msk [tilespmem:v10+s2+$0x0], $0xffff  }
0x31: {  	vm1 =	vgt.f32 v8, v4;
	v5 =	vsel vm0, v8, v5;
	v3 =	vsel vm0, s12, v3  }
0x32: {  	s14 =	sadd.s32 $0x5, s12;
	v5 =	vsel vm1, v4, v5;
	v3 =	vsel vm1, v2, v3;
	v2 =	vsel vm1, s12, v2  }
0x33: {  	v4 =	vsel vm1, v8, v4;
	v8 =	vor.u32 s14, v1;
	vm0 =	vgt.f32 v9, v5;
	v10 =	vld.idx.msk [tilespmem:v11+s2+$0x0], $0xffff  }
0x34: {  	vm1 =	vgt.f32 v9, v4;
	v5 =	vsel vm0, v9, v5;
	v3 =	vsel vm0, s19, v3  }
0x35: {  	s15 =	sadd.s32 $0x6, s12;
	v5 =	vsel vm1, v4, v5;
	v3 =	vsel vm1, v2, v3;
	v2 =	vsel vm1, s19, v2  }
0x36: {  	v11 =	vor.u32 s15, v1;
	v9 =	vsel vm1, v9, v4;
	vm0 =	vgt.f32 v6, v5;
	v4 =	vld.idx.msk [tilespmem:v7+s2+$0x0], $0xffff  }
0x37: {  	vm1 =	vgt.f32 v6, v9;
	v5 =	vsel vm0, v6, v5;
	v3 =	vsel vm0, s20, v3  }
0x38: {  	s16 =	sadd.s32 $0x7, s12;
	s12 =	smov.u32 s17;
	v5 =	vsel vm1, v9, v5;
	v3 =	vsel vm1, v2, v3;
	v2 =	vsel vm1, s20, v2  }
.Ltmp0:
0x39: {  	v7 =	vor.u32 s16, v1;
	v9 =	vsel vm1, v6, v9;
	vm0 =	vgt.f32 v10, v5;
	v6 =	vld.idx.msk [tilespmem:v8+s2+$0x0], $0xffff;
	(pc) =	sbr.rel @p0 .LBB2_3-.Ltmp0, $4  }
0x3a: {  	vm1 =	vgt.f32 v10, v9;
	v5 =	vsel vm0, v10, v5;
	v3 =	vsel vm0, s18, v3  }
0x3b: {  	v12 =	vsel vm1, v9, v5;
	v3 =	vsel vm1, v2, v3;
	v2 =	vsel vm1, s18, v2  }
0x3c: {  	v8 =	vor.u32 s17, v1;
	v9 =	vsel vm1, v10, v9;
	vm1 =	vgt.f32 v4, v12;
	v5 =	vld.idx.msk [tilespmem:v11+s2+$0x0], $0xffff  }
0x3d: {  	s17 =	sadd.s32 $0x8, s17;
	vm0 =	vgt.f32 v4, v9;
	v10 =	vsel vm1, v4, v12;
	v3 =	vsel vm1, s13, v3  }
0x3e: {  	_ =	sdelay $0x1  }
0x3f: {  	v10 =	vsel vm0, v9, v10  }
0x40: {  	v4 =	vsel vm0, v4, v9;
	v27 =	vimm.s32 $0x0;
	vm1 =	vgt.f32 v6, v10  }
0x41: {  	s17 =	sadd.s32 $0x1, s12;
	v7 =	vld.idx.msk [tilespmem:v7+s2+$0x0], $0xffff;
	vm7 =	vgt.f32 v6, v4;
	v9 =	vsel vm1, $0xFFFFFFFF, v27;
	v28 =	vsel vm1, v6, v10  }
0x42: {  	v29 =	vor.u32 s17, v1;
	[tilespmem:$0x1FF90] =	vst v9;
	v9 =	vsel vm7, v4, v28  }
0x43: {  	v4 =	vsel vm7, v6, v4;
	vm13 =	vgt.f32 v5, v9  }
0x44: {  	s18 =	sadd.s32 $0x2, s12;
	v31 =	vld.idx.msk [tilespmem:v8+s2+$0x0], $0xffff;
	vm5 =	vgt.f32 v5, v4;
	v32 =	vsel vm13, v5, v9  }
0x45: {  	v33 =	vor.u32 s18, v1;
	v8 =	vsel vm5, v4, v32  }
0x46: {  	v4 =	vsel vm5, v5, v4;
	vm14 =	vgt.f32 v7, v8  }
0x47: {  	s19 =	sadd.s32 $0x3, s12;
	v35 =	vld.idx.msk [tilespmem:v29+s2+$0x0], $0xffff;
	vm6 =	vgt.f32 v7, v4;
	v8 =	vsel vm14, v7, v8  }
0x48: {  	v36 =	vor.u32 s19, v1;
	v8 =	vsel vm6, v4, v8  }
0x49: {  	v4 =	vsel vm6, v7, v4;
	vm15 =	vgt.f32 v31, v8  }
0x4a: {  	s20 =	sadd.s32 $0x4, s12;
	v38 =	vld.idx.msk [tilespmem:v33+s2+$0x0], $0xffff;
	vm8 =	vgt.f32 v31, v4;
	v8 =	vsel vm15, v31, v8  }
0x4b: {  	v39 =	vor.u32 s20, v1;
	v8 =	vsel vm8, v4, v8  }
0x4c: {  	v4 =	vsel vm8, v31, v4;
	vm4 =	vgt.f32 v35, v8  }
0x4d: {  	v30 =	vimm.s32 $0x0;
	s21 =	sadd.s32 $0x5, s12;
	v41 =	vld.idx.msk [tilespmem:v36+s2+$0x0], $0xffff;
	vm10 =	vgt.f32 v35, v4;
	v8 =	vsel vm4, v35, v8  }
0x4e: {  	v34 =	vimm.s32 $0x0;
	v42 =	vor.u32 s21, v1;
	v8 =	vsel vm10, v4, v8  }
0x4f: {  	v37 =	vimm.s32 $0x0;
	v4 =	vsel vm10, v35, v4;
	vm11 =	vgt.f32 v38, v8  }
0x50: {  	v40 =	vimm.s32 $0x0;
	s22 =	sadd.s32 $0x6, s12;
	v44 =	vld.idx.msk [tilespmem:v39+s2+$0x0], $0xffff;
	vm12 =	vgt.f32 v38, v4;
	v8 =	vsel vm11, v38, v8  }
0x51: {  	v45 =	vor.u32 s22, v1;
	v6 =	vsel vm13, $0xFFFFFFFF, v30;
	v8 =	vsel vm12, v4, v8  }
0x52: {  	[tilespmem:$0x1FFA0] =	vst v6;
	v6 =	vsel vm4, $0xFFFFFFFF, v40;
	v4 =	vsel vm12, v38, v4;
	vm4 =	vgt.f32 v41, v8  }
0x53: {  	s23 =	sadd.s32 $0x7, s12;
	v47 =	vld.idx.msk [tilespmem:v42+s2+$0x0], $0xffff;
	v5 =	vsel vm14, $0xFFFFFFFF, v34;
	vm14 =	vgt.f32 v41, v4;
	v8 =	vsel vm4, v41, v8  }
0x54: {  	v46 =	vimm.s32 $0x0;
	v48 =	vor.u32 s23, v1;
	v8 =	vsel vm14, v4, v8  }
0x55: {  	v7 =	vsel vm15, $0xFFFFFFFF, v37;
	v4 =	vsel vm14, v41, v4;
	vm15 =	vgt.f32 v44, v8  }
0x56: {  	v49 =	vld.idx.msk [tilespmem:v45+s2+$0x0], $0xffff;
	[tilespmem:$0x1FFC0] =	vst v7;
	v7 =	vsel vm4, $0xFFFFFFFF, v46;
	vm4 =	vgt.f32 v44, v4;
	v8 =	vsel vm15, v44, v8  }
0x57: {  	v8 =	vsel vm4, v4, v8  }
0x58: {  	v4 =	vsel vm4, v44, v4;
	vm13 =	vgt.f32 v47, v8  }
0x59: {  	v50 =	vld.idx.msk [tilespmem:v48+s2+$0x0], $0xffff;
	vm3 =	vgt.f32 v47, v4;
	v8 =	vsel vm13, v47, v8  }
0x5a: {  	v43 =	vimm.s32 $0x0;
	v8 =	vsel vm3, v4, v8  }
0x5b: {  	[tilespmem:$0x1FFB0] =	vst v5;
	v5 =	vsel vm11, $0xFFFFFFFF, v43;
	v4 =	vsel vm3, v47, v4;
	vm11 =	vgt.f32 v49, v8  }
0x5c: {  	vm2 =	vgt.f32 v49, v4;
	v51 =	vsel vm11, v49, v8  }
0x5d: {  	v53 =	vld [tilespmem:$0x1FF90];
	[tilespmem:$0x1FFF0] =	vst v7;
	v7 =	vsel vm2, v4, v51  }
0x5e: {  	v4 =	vsel vm2, v49, v4;
	vm9 =	vgt.f32 v50, v7  }
0x5f: {  	v54 =	vld [tilespmem:$0x1FFA0];
	vm1 =	vgt.f32 v50, v4;
	v52 =	vsel vm9, v50, v7  }
0x60: {  	[tilespmem:$0x1FFD0] =	vst v6;
	v6 =	vsel vm1, v4, v52;
	v4 =	vsel vm1, v50, v4  }
0x61: {  	v55 =	vld [tilespmem:$0x1FFB0];
	v4 =	vsub.f32 v6, v4  }
0x62: {  	v3 =	vsel vm0, v2, v3;
	v2 =	vsel vm0, s13, v2;
	vm0 =	vnez.u8 v53  }
0x63: {  	v3 =	vsel vm0, s14, v3;
	v56 =	vld [tilespmem:$0x1FFC0];
	v4 =	vmul.f32 $1.442695020e+00, v4  }
0x64: {  	v3 =	vsel vm7, v2, v3;
	v2 =	vsel vm7, s14, v2;
	vm7 =	vnez.u8 v54  }
0x65: {  	v3 =	vsel vm7, s15, v3;
	v57 =	vld [tilespmem:$0x1FFD0];
	(erf) = vpow2.f32 v4  }
0x66: {  	v3 =	vsel vm5, v2, v3;
	v2 =	vsel vm5, s15, v2;
	vm5 =	vnez.u8 v55;
	[tilespmem:$0x1FFE0] =	vst v5  }
0x67: {  	v3 =	vsel vm5, s16, v3;
	v59 =	vld [tilespmem:$0x1FFE0]  }
0x68: {  	v3 =	vsel vm6, v2, v3;
	vm7 =	vnez.u8 v56  }
0x69: {  	v2 =	vsel vm6, s16, v2;
	v3 =	vsel vm7, s12, v3;
	v61 =	vld [tilespmem:$0x1FFF0]  }
0x6a: {  	v3 =	vsel vm8, v2, v3;
	v2 =	vsel vm8, s12, v2;
	vm8 =	vnez.u8 v57  }
0x6b: {  	v3 =	vsel vm8, s17, v3  }
0x6c: {  	v3 =	vsel vm10, v2, v3;
	v2 =	vsel vm10, s17, v2;
	vm10 =	vnez.u8 v59  }
0x6d: {  	v3 =	vsel vm10, s18, v3  }
0x6e: {  	v3 =	vsel vm12, v2, v3;
	v2 =	vsel vm12, s18, v2;
	vm12 =	vnez.u8 v61;
	v58 =	vpop (erf)  }
0x6f: {  	v3 =	vsel vm12, s19, v3;
	v60 =	vadd.f32 $1.000000000e+00, v58  }
0x70: {  	v3 =	vsel vm14, v2, v3  }
0x71: {  	v2 =	vsel vm14, s19, v2;
	v3 =	vsel vm15, s20, v3;
	(erf) = vrcp.f32 v60  }
0x72: {  	v3 =	vsel vm4, v2, v3  }
0x73: {  	v2 =	vsel vm4, s20, v2;
	v3 =	vsel vm13, s21, v3  }
0x74: {  	v3 =	vsel vm3, v2, v3  }
0x75: {  	v2 =	vsel vm3, s21, v2;
	v3 =	vsel vm11, s22, v3  }
0x76: {  	v62 =	vor.u32 $0x1, v1;
	v3 =	vsel vm2, v2, v3  }
0x77: {  	s11 =	sadd.s32 $0x1, s11;
	v3 =	vsel vm9, s23, v3  }
0x78: {  	p0 =	sne.s32 s11, $0x10;
	v2 =	vsel vm2, s22, v2  }
.Ltmp1:
0x79: {  	v63 =	vsel vm1, s23, v2;
	(pc) =	sbr.rel @p0 .LBB2_2-.Ltmp1, $4  }
0x7a: {  	v2 =	vsel vm1, v2, v3;
	[tilespmem:v1+s8+$0x0] =	vst.idx.msk $0xffff, v63;
	v3 =	vpop (erf)  }
0x7b: {  	[tilespmem:v62+s8+$0x0] =	vst.idx.msk $0xffff, v2;
	v4 =	vmul.f32 v3, v58  }
0x7c: {  	[tilespmem:v1+s9+$0x0] =	vst.idx.msk $0xffff, v3  }
0x7d: {  	[tilespmem:v62+s9+$0x0] =	vst.idx.msk $0xffff, v4  }
0x7e: {  	[hbm4b:s4+s2] =	stream.linear.scatter [tilespmem:s8], [sflag:$0x1], $0x8000, $0x38;
	[tilespmem:$0x18000] =	vst v63  }
0x7f: {  	s10 =	sadd.s32 $0x1, s10;
	_ =	swait.ge [sflag:s7], $0x8000  }
0x80: {  	p0 =	sne.s32 s10, s6;
	[sflag:s7] =	ssyncset.done $0x0  }
.Ltmp2:
0x81: {  	[sflag:s7] =	ssyncadd.s32 $0xFFFF8000;
	(pc) =	sbr.rel @p0 .LBB2_1-.Ltmp2, $4  }
0x82: {  	[hbm4b:s5+s2] =	stream.linear.scatter [tilespmem:s9], [sflag:$0x1], $0x8000, $0x38;
	[tilespmem:$0x18000] =	vst v63  }
0x83: {  	_ =	swait.ge [sflag:s7], $0x8000  }
0x84: {  	[sflag:s7] =	ssyncset.done $0x0  }
0x85: {  	[sflag:s7] =	ssyncadd.s32 $0xFFFF8000  }
0x86: {  	_ =	sfence.sel $0x180000  }
0x87: {  	[bflag:$0x0] =	sbarrier.arrive $0xFFFF  }
0x88: {  	p0 =	sne.s32 s1, $0x0;
	_ =	strace $0x90000047  }
0x89: {  	s0 =	sadd.s32 @!p0 $0x100000, s0;
	[bflag:$0x2] =	sbarrier.arrive $0xFFFF  }
0x8a: {  	[sflag:s0] =	ssyncadd.tile.s32 @!p0 $0x1;
	_ =	shalt  }
.Lfunc_end2:
_tile_overlayer_lowered:
.L_overlay_start_2:
0x8b: {  	(tag) =	ssettag $0x2  }
0x8c: {  	s0 =	rddreg [dreg:$0x0];
	s2 =	stileid.u32  }
0x8d: {  	s1 =	rddreg [dreg:$0x1];
	p0 =	sne.s32 s2, $0x0  }
0x8e: {  	s3 =	rddreg [dreg:$0x2];
	[bflag:$0x3] =	sbarrier.arrive $0xFFFF;
	s2 =	simm.s32 @!p0 $0x1C01  }
0x8f: {  	[timem:s3], [sflag:s2] =	dma.local @!p0 [hbm:s0], s1  }
0x90: {  	s0 =	simm.s32 @!p0 $0x1  }
0x91: {  	_ =	swait.ge @!p0 [sflag:s0], s1  }
0x92: {  	s1 =	ssub.s32 @!p0 $0x0, s1;
	[sflag:s0] =	ssyncset.done @!p0 $0x0  }
0x93: {  	[sflag:s0] =	ssyncadd.s32 @!p0 s1  }
0x94: {  	[bflag:$0x3] =	sbarrier.arrive $0xFFFF  }
0x95: {  	_ =	shalt  }

</sc_bundles>
